<compile_context>
chip_gen: v7x
topology: tpu7x:2x2x1
jax: 0.10.2.dev20260603
libtpu: 0.0.44.dev20260713+nightly
codegen_flags: <defaults>
</compile_context>

<pallas_src>
import functools

import jax
import jax.numpy as jnp
from jax import lax
from jax.experimental import pallas as pl
from jax.experimental.pallas import tpu as pltpu
from jax.experimental.pallas import tpu_sc as plsc

_B = 1024
_C = 256
_S = 4096
_NW = 32
_ROWS = _B // _NW
_L = 16


def _sc_gather(phys, bids, finds):
    mesh = plsc.VectorSubcoreMesh(core_axis_name="c", subcore_axis_name="s")

    @functools.partial(
        pl.kernel,
        out_type=jax.ShapeDtypeStruct((_B, _C), jnp.float32),
        mesh=mesh,
        scratch_types=[
            pltpu.VMEM((_ROWS,), jnp.int32),
            pltpu.VMEM((_ROWS,), jnp.int32),
            pltpu.VMEM((_ROWS,), jnp.int32),
            pltpu.VMEM((_ROWS, _C), jnp.float32),
            pltpu.SemaphoreType.DMA,
            pltpu.SemaphoreType.DMA,
        ],
    )
    def k(phys_hbm, bid_hbm, find_hbm, out_hbm,
          bid_v, find_v, idx_v, rows_v, sem1, sem2):
        wid = lax.axis_index("s") * 2 + lax.axis_index("c")
        row0 = wid * _ROWS
        cp1 = pltpu.async_copy(bid_hbm.at[pl.ds(row0, _ROWS)], bid_v, sem1)
        cp2 = pltpu.async_copy(find_hbm.at[pl.ds(row0, _ROWS)], find_v, sem2)
        cp1.wait()
        cp2.wait()
        for j in range(_ROWS // _L):
            sl = pl.ds(j * _L, _L)
            idx_v[sl] = bid_v[sl] * _S + find_v[sl]
        pltpu.async_copy(phys_hbm.at[idx_v], rows_v, sem1).wait()
        pltpu.sync_copy(rows_v, out_hbm.at[pl.ds(row0, _ROWS)])

    return k(phys, bids, finds)


def kernel(maps, batch_ids, flat_inds):
    channel = maps.shape[1]
    phys = jnp.reshape(jnp.transpose(maps, (0, 2, 3, 1)), (-1, channel))
    return _sc_gather(phys,
                      batch_ids.astype(jnp.int32),
                      flat_inds.astype(jnp.int32))

# --- scband reference (transcript-rebuilt; emitter-appended) ---
"""Pipeline reference for scband-temp-result-parser-73443940762021 (READ-ONLY COPY).

The authoritative reference and input builder live on the scoring server;
editing this copy changes nothing except your own understanding.
"""

import jax, jax.numpy as jnp
import numpy as np


def setup_inputs(seed: int = 0) -> dict:
    key = jax.random.key(seed)
    k1, k2, k3 = jax.random.split(key, 3)
    maps = jax.random.normal(k1, (64, 256, 64, 64), dtype=jnp.float32)
    batch_ids = jax.random.randint(k2, (1024,), 0, 64, dtype=jnp.int64 if jax.config.read('jax_enable_x64') else jnp.int32)
    flat_inds = jax.random.randint(k3, (1024,), 0, 4096, dtype=jnp.int64 if jax.config.read('jax_enable_x64') else jnp.int32)
    return {"maps": maps, "batch_ids": batch_ids, "flat_inds": flat_inds}


def reference(maps, batch_ids, flat_inds):
    # Faithful translation of TempResultParser.parameter_sampling with use_transform=True:
    #   batch, channel = maps.shape[:2]
    #   maps = maps.view(batch, channel, -1).permute(0, 2, 1)
    #   results = maps[batch_ids, flat_inds]
    batch, channel = maps.shape[0], maps.shape[1]
    maps_t = jnp.transpose(jnp.reshape(maps, (batch, channel, -1)), (0, 2, 1))
    results = maps_t[batch_ids, flat_inds]
    return results

if __name__ == "__main__":
    import jax
    _d = setup_inputs()
    print(jax.jit(kernel)(*tuple(_d.values())))

</pallas_src>

<mosaic_0001>
#map = affine_map<(d0, d1) -> (0, 0)>
#map1 = affine_map<(d0, d1) -> (0)>
module attributes {stable_mosaic.version = 14 : i64} {
  func.func @k(%arg0: i32, %arg1: i32, %arg2: memref<262144x256xf32, #tpu.memory_space<hbm>>, %arg3: memref<1024xi32, #tpu.memory_space<hbm>>, %arg4: memref<1024xi32, #tpu.memory_space<hbm>>, %arg5: memref<1024x256xf32, #tpu.memory_space<hbm>>, %arg6: memref<32xi32, #tpu.memory_space<vmem>>, %arg7: memref<32xi32, #tpu.memory_space<vmem>>, %arg8: memref<32xi32, #tpu.memory_space<vmem>>, %arg9: memref<32x256xf32, #tpu.memory_space<vmem>>, %arg10: memref<!tpu.dma_semaphore, #tpu.memory_space<semaphore_mem>>, %arg11: memref<!tpu.dma_semaphore, #tpu.memory_space<semaphore_mem>>) attributes {dimension_semantics = [#tpu.dimension_semantics<core_parallel>, #tpu.dimension_semantics<subcore_parallel>], iteration_bounds = array<i64: 2, 16>, scalar_prefetch = 0 : i64, scratch_operands = 6 : i64, tpu.core_type = #tpu.core_type<sc_vector_subcore>, window_params = [{transform_indices = #map}, {transform_indices = #map1}, {transform_indices = #map1}, {transform_indices = #map}]} {
    %mul3A = arith.constant 2 : i32
    %mul3A_0 = arith.muli %arg1, %mul3A : i32
    %add3A = arith.addi %mul3A_0, %arg0 : i32
    %mul3A_1 = arith.constant 32 : i32
    %mul3A_2 = arith.muli %add3A, %mul3A_1 : i32
    %dma_start3A = tpu.memref_slice %arg3[%mul3A_2] : memref<1024xi32, #tpu.memory_space<hbm>> -> memref<32xi32, #tpu.memory_space<hbm>>
    %dma_start3A_3 = tpu.memref_slice %arg3[%mul3A_2] : memref<1024xi32, #tpu.memory_space<hbm>> -> memref<32xi32, #tpu.memory_space<hbm>>
    tpu.enqueue_dma source(%dma_start3A_3 : memref<32xi32, #tpu.memory_space<hbm>>) target(%arg6 : memref<32xi32, #tpu.memory_space<vmem>>) target_semaphore(%arg10 : memref<!tpu.dma_semaphore, #tpu.memory_space<semaphore_mem>>)
    %dma_start3A_4 = tpu.memref_slice %arg4[%mul3A_2] : memref<1024xi32, #tpu.memory_space<hbm>> -> memref<32xi32, #tpu.memory_space<hbm>>
    %dma_start3A_5 = tpu.memref_slice %arg4[%mul3A_2] : memref<1024xi32, #tpu.memory_space<hbm>> -> memref<32xi32, #tpu.memory_space<hbm>>
    tpu.enqueue_dma source(%dma_start3A_5 : memref<32xi32, #tpu.memory_space<hbm>>) target(%arg7 : memref<32xi32, #tpu.memory_space<vmem>>) target_semaphore(%arg11 : memref<!tpu.dma_semaphore, #tpu.memory_space<semaphore_mem>>)
    %dma_wait3A = tpu.memref_slice %arg3[%mul3A_2] : memref<1024xi32, #tpu.memory_space<hbm>> -> memref<32xi32, #tpu.memory_space<hbm>>
    %dma_wait3A_6 = tpu.memref_slice %arg3[%mul3A_2] : memref<1024xi32, #tpu.memory_space<hbm>> -> memref<32xi32, #tpu.memory_space<hbm>>
    tpu.wait_dma2 semaphore(%arg10 : memref<!tpu.dma_semaphore, #tpu.memory_space<semaphore_mem>>) src(%dma_wait3A_6 : memref<32xi32, #tpu.memory_space<hbm>>) dst(%arg6 : memref<32xi32, #tpu.memory_space<vmem>>)
    %dma_wait3A_7 = tpu.memref_slice %arg4[%mul3A_2] : memref<1024xi32, #tpu.memory_space<hbm>> -> memref<32xi32, #tpu.memory_space<hbm>>
    %dma_wait3A_8 = tpu.memref_slice %arg4[%mul3A_2] : memref<1024xi32, #tpu.memory_space<hbm>> -> memref<32xi32, #tpu.memory_space<hbm>>
    tpu.wait_dma2 semaphore(%arg11 : memref<!tpu.dma_semaphore, #tpu.memory_space<semaphore_mem>>) src(%dma_wait3A_8 : memref<32xi32, #tpu.memory_space<hbm>>) dst(%arg7 : memref<32xi32, #tpu.memory_space<vmem>>)
    %get3A = arith.constant 0 : index
    %get3A_9 = tpu.vector_load %arg6[%get3A] {strides = array<i32>} : memref<32xi32, #tpu.memory_space<vmem>>, vector<16xi32>,
    %get3A_10 = vector.shape_cast %get3A_9 : vector<16xi32> to vector<16xi32>
    %mul3A_11 = arith.constant 4096 : i32
    %mul3A_12 = vector.broadcast %mul3A_11 : i32 to vector<16xi32>
    %mul3A_13 = arith.muli %get3A_10, %mul3A_12 : vector<16xi32>
    %get3A_14 = arith.constant 0 : index
    %get3A_15 = tpu.vector_load %arg7[%get3A_14] {strides = array<i32>} : memref<32xi32, #tpu.memory_space<vmem>>, vector<16xi32>,
    %get3A_16 = vector.shape_cast %get3A_15 : vector<16xi32> to vector<16xi32>
    %add3A_17 = arith.addi %mul3A_13, %get3A_16 : vector<16xi32>
    %swap3A = arith.constant 0 : index
    %swap3A_18 = tpu.vector_load %arg8[%swap3A] {strides = array<i32>} : memref<32xi32, #tpu.memory_space<vmem>>, vector<16xi32>,
    %swap3A_19 = vector.shape_cast %swap3A_18 : vector<16xi32> to vector<16xi32>
    %swap3A_20 = vector.shape_cast %add3A_17 : vector<16xi32> to vector<16xi32>
    tpu.vector_store %arg8[%swap3A], %swap3A_20 {strides = array<i32>} : memref<32xi32, #tpu.memory_space<vmem>>, vector<16xi32>,
    %get3A_21 = arith.constant 16 : index
    %get3A_22 = tpu.vector_load %arg6[%get3A_21] {strides = array<i32>} : memref<32xi32, #tpu.memory_space<vmem>>, vector<16xi32>,
    %get3A_23 = vector.shape_cast %get3A_22 : vector<16xi32> to vector<16xi32>
    %mul3A_24 = arith.constant 4096 : i32
    %mul3A_25 = vector.broadcast %mul3A_24 : i32 to vector<16xi32>
    %mul3A_26 = arith.muli %get3A_23, %mul3A_25 : vector<16xi32>
    %get3A_27 = arith.constant 16 : index
    %get3A_28 = tpu.vector_load %arg7[%get3A_27] {strides = array<i32>} : memref<32xi32, #tpu.memory_space<vmem>>, vector<16xi32>,
    %get3A_29 = vector.shape_cast %get3A_28 : vector<16xi32> to vector<16xi32>
    %add3A_30 = arith.addi %mul3A_26, %get3A_29 : vector<16xi32>
    %swap3A_31 = arith.constant 16 : index
    %swap3A_32 = tpu.vector_load %arg8[%swap3A_31] {strides = array<i32>} : memref<32xi32, #tpu.memory_space<vmem>>, vector<16xi32>,
    %swap3A_33 = vector.shape_cast %swap3A_32 : vector<16xi32> to vector<16xi32>
    %swap3A_34 = vector.shape_cast %add3A_30 : vector<16xi32> to vector<16xi32>
    tpu.vector_store %arg8[%swap3A_31], %swap3A_34 {strides = array<i32>} : memref<32xi32, #tpu.memory_space<vmem>>, vector<16xi32>,
    %dma_start3A_35 = arith.constant 0 : i32
    %dma_start3A_36 = arith.constant 0 : i32
    %dma_start3A_37 = tpu.memref_slice %arg2[%dma_start3A_35, %dma_start3A_36] : memref<262144x256xf32, #tpu.memory_space<hbm>> -> memref<262144x256xf32, #tpu.memory_space<hbm>>
    tpu.enqueue_indirect_dma source(%dma_start3A_37 : memref<262144x256xf32, #tpu.memory_space<hbm>>) target(%arg9 : memref<32x256xf32, #tpu.memory_space<vmem>>) offsets(%arg8 : memref<32xi32, #tpu.memory_space<vmem>>) semaphore(%arg10 : memref<!tpu.dma_semaphore, #tpu.memory_space<semaphore_mem>>)
    %dma_wait3A_38 = arith.constant 0 : i32
    %dma_wait3A_39 = arith.constant 0 : i32
    %dma_wait3A_40 = tpu.memref_slice %arg2[%dma_wait3A_38, %dma_wait3A_39] : memref<262144x256xf32, #tpu.memory_space<hbm>> -> memref<262144x256xf32, #tpu.memory_space<hbm>>
    tpu.wait_indirect_dma semaphore(%arg10 : memref<!tpu.dma_semaphore, #tpu.memory_space<semaphore_mem>>) src(%dma_wait3A_40 : memref<262144x256xf32, #tpu.memory_space<hbm>>) dst(%arg9 : memref<32x256xf32, #tpu.memory_space<vmem>>)
    "tpu.region"() ({
      %run_scoped3A = tpu.sem_alloc : memref<!tpu.dma_semaphore, #tpu.memory_space<semaphore_mem>>
      %dma_start3A_41 = arith.constant 0 : i32
      %dma_start3A_42 = tpu.memref_slice %arg5[%mul3A_2, %dma_start3A_41] : memref<1024x256xf32, #tpu.memory_space<hbm>> -> memref<32x256xf32, #tpu.memory_space<hbm>>
      %dma_start3A_43 = arith.constant 0 : i32
      %dma_start3A_44 = tpu.memref_slice %arg5[%mul3A_2, %dma_start3A_43] : memref<1024x256xf32, #tpu.memory_space<hbm>> -> memref<32x256xf32, #tpu.memory_space<hbm>>
      tpu.enqueue_dma source(%arg9 : memref<32x256xf32, #tpu.memory_space<vmem>>) target(%dma_start3A_44 : memref<32x256xf32, #tpu.memory_space<hbm>>) target_semaphore(%run_scoped3A : memref<!tpu.dma_semaphore, #tpu.memory_space<semaphore_mem>>)
      %dma_wait3A_45 = arith.constant 0 : i32
      %dma_wait3A_46 = tpu.memref_slice %arg5[%mul3A_2, %dma_wait3A_45] : memref<1024x256xf32, #tpu.memory_space<hbm>> -> memref<32x256xf32, #tpu.memory_space<hbm>>
      %dma_wait3A_47 = arith.constant 0 : i32
      %dma_wait3A_48 = tpu.memref_slice %arg5[%mul3A_2, %dma_wait3A_47] : memref<1024x256xf32, #tpu.memory_space<hbm>> -> memref<32x256xf32, #tpu.memory_space<hbm>>
      tpu.wait_dma2 semaphore(%run_scoped3A : memref<!tpu.dma_semaphore, #tpu.memory_space<semaphore_mem>>) src(%arg9 : memref<32x256xf32, #tpu.memory_space<vmem>>) dst(%dma_wait3A_48 : memref<32x256xf32, #tpu.memory_space<hbm>>)
      tpu.yield
    }) : () -> ()
    return
  }
}

</mosaic_0001>

<sc_bundles>
// kernel: kernel.3.cloned.1.call-start
scs
__scs_entry_jumppad:
0x0: {  	(pc) =	sbr.rel $0x88, $3  }
0x1: {  	(tag) =	ssettag $0x0;
	lr =	simm.s32 $0x1  }
0x2: {  	[smem:$0x3F9E] =	sst lr;
	_ =	strace $0xD0000000  }
0x3: {  	_ = 	snop  }
0x4: {  	_ = 	snop  }
0x5: {  	_ = 	snop  }
0x6: {  	_ = 	snop  }
0x7: {  	_ = 	snop  }
__scs_overlays_trampoline_lowered:
0x8: {  	[smem:$0x3FAD] =	sst s0  }
0x9: {  	[smem:$0x3FAE] =	sst s1  }
0xa: {  	[smem:$0x3FAF] =	sst s2  }
0xb: {  	[smem:$0x3FB0] =	sst s3  }
0xc: {  	[smem:$0x3FB1] =	sst s4  }
0xd: {  	[smem:$0x3FB2] =	sst s5  }
0xe: {  	[smem:$0x3FB3] =	sst s6  }
0xf: {  	[smem:$0x3FB4] =	sst s7  }
0x10: {  	[smem:$0x3FB5] =	sst s8  }
0x11: {  	[smem:$0x3FB6] =	sst s9;
	s0 =	simm.s32 @!p0 $0x0  }
0x12: {  	s1 =	sld [smem:$0x3F9C];
	s0 =	simm.s32 @p0 $0x1  }
0x13: {  	[smem:$0x3FB7] =	sst s0;
	s0 =	simm.s32 @!p1 $0x0  }
0x14: {  	s2 =	sld [smem:$0x3F9B];
	s0 =	simm.s32 @p1 $0x1  }
0x15: {  	[smem:$0x3FB8] =	sst s0;
	s0 =	simm.s32 @!p2 $0x0  }
0x16: {  	s3 =	sld [smem:$0x3FDB];
	s0 =	simm.s32 @p2 $0x1  }
0x17: {  	s4 =	simm.s32 $0x1BF5;
	[smem:$0x3FBA] =	sst s0  }
0x18: {  	s0 =	sld [smem:$0x3F9D];
	_ =	swait.ge [sflag:s4], $0x0  }
0x19: {  	s7 =	sld [smem:$0x3F9E]  }
0x1a: {  	s8 =	sadd.s32 $0xFFFFE003, lr  }
0x1b: {  	s9 =	sadd.s32 $0xFFFFFEF7, lr;
	s5 =	simm.s32 $0xFFFFFFFF;
	p2 =	slt.u32 s8, $0xFFFFF086  }
0x1c: {  	p1 =	slt.u32 s9, $0xF7A;
	s5 =	simm.s32 @!p2 $0x0  }
0x1d: {  	s5 =	simm.s32 @p1 $0x1;
	p0 =	seq.s32 s7, s2  }
0x1e: {  	s7 =	smul.u32 @!p0 $0xF7A, s2;
	p2 =	seq.s32 @!p0 s5, $0x0  }
0x1f: {  	s9 =	smul.u32 $0xF7A, s1;
	s8 =	simm.s32 @!p0 $0x1BF5;
	p2 =	por !p2, p0  }
0x20: {  	[sflag:s8] =	ssyncset.s32 @!p0 $0xFFFFF086;
	s6 =	sadd.s32 @!p0 s3, s7;
	s7 =	simm.s32 @!p0 $0x108  }
0x21: {  	s3 =	sadd.s32 s3, s9;
	s6 =	sadd.s32 @!p0 $0x88, s6;
	s7 =	simm.s32 @p2 $0x1082  }
0x22: {  	[simem:s7], [sflag:s8] =	dma.local @!p0 [hbm:s6], $0xF7A  }
0x23: {  	s9 =	sor.u32 $0xD0000000, s2;
	s6 =	simm.s32 $0x108;
	_ =	swait.ge @!p0 [sflag:s8], $0x0  }
0x24: {  	s3 =	sadd.s32 $0x88, s3;
	s6 =	simm.s32 @!p1 $0x1082;
	[sflag:s4] =	ssyncset.s32 $0xFFFFF086  }
0x25: {  	[simem:s6], [sflag:s4] =	dma.local [hbm:s3], $0xF7A  }
0x26: {  	[smem:$0x3F9E] =	sst s1;
	(tag) =	ssettag s2;
	_ =	strace s9  }
0x27: {  	s1 =	sld [smem:$0x3FAE]  }
0x28: {  	s2 =	sld [smem:$0x3FAF]  }
0x29: {  	s4 =	sld [smem:$0x3FB1]  }
0x2a: {  	p0 =	seq.s32 s5, $0x0;
	s5 =	sld [smem:$0x3FB2]  }
0x2b: {  	s6 =	sld [smem:$0x3FB3]  }
0x2c: {  	s7 =	sld [smem:$0x3FB4]  }
0x2d: {  	s3 =	simm.s32 $0x108;
	s8 =	sld [smem:$0x3FB5]  }
0x2e: {  	s3 =	simm.s32 @!p0 $0x1082;
	s9 =	sld [smem:$0x3FB6]  }
0x2f: {  	lr =	sadd.s32 s0, s3;
	s0 =	sld [smem:$0x3FAD]  }
0x30: {  	s3 =	sld [smem:$0x3FB0]  }
0x31: {  	[smem:$0x3FB9] =	sst s10  }
0x32: {  	s10 =	sld [smem:$0x3FB7];
	_ =	sdelay $0x3  }
0x33: {  	p0 =	seq.s32 s10, $0x1;
	s10 =	sld [smem:$0x3FB9];
	_ =	sdelay $0x3  }
0x34: {  	[smem:$0x3FB9] =	sst s10  }
0x35: {  	s10 =	sld [smem:$0x3FB8];
	_ =	sdelay $0x3  }
0x36: {  	p1 =	seq.s32 s10, $0x1;
	s10 =	sld [smem:$0x3FB9];
	_ =	sdelay $0x3  }
0x37: {  	[smem:$0x3FB9] =	sst s10  }
0x38: {  	s10 =	sld [smem:$0x3FBA]  }
0x39: {  	_ = 	snop;
	(pc) =	sbr.ind lr, $3  }
0x3a: {  	_ = 	snop  }
0x3b: {  	_ = 	snop  }
0x3c: {  	p2 =	seq.s32 s10, $0x1;
	s10 =	sld [smem:$0x3FB9]  }
0x3d: {  	_ =	shalt  }
0x3e: {  	_ =	shalt  }
0x3f: {  	_ =	shalt  }
0x40: {  	_ =	shalt  }
0x41: {  	_ =	shalt  }
0x42: {  	_ =	shalt  }
0x43: {  	_ =	shalt  }
0x44: {  	_ =	shalt  }
0x45: {  	_ =	shalt  }
0x46: {  	_ =	shalt  }
0x47: {  	_ =	shalt  }
0x48: {  	_ =	shalt  }
0x49: {  	_ =	shalt  }
0x4a: {  	_ =	shalt  }
0x4b: {  	_ =	shalt  }
0x4c: {  	_ =	shalt  }
0x4d: {  	_ =	shalt  }
0x4e: {  	_ =	shalt  }
0x4f: {  	_ =	shalt  }
0x50: {  	_ =	shalt  }
0x51: {  	_ =	shalt  }
0x52: {  	_ =	shalt  }
0x53: {  	_ =	shalt  }
0x54: {  	_ =	shalt  }
0x55: {  	_ =	shalt  }
0x56: {  	_ =	shalt  }
0x57: {  	_ =	shalt  }
0x58: {  	_ =	shalt  }
0x59: {  	_ =	shalt  }
0x5a: {  	_ =	shalt  }
0x5b: {  	_ =	shalt  }
0x5c: {  	_ =	shalt  }
0x5d: {  	_ =	shalt  }
0x5e: {  	_ =	shalt  }
0x5f: {  	_ =	shalt  }
0x60: {  	_ =	shalt  }
0x61: {  	_ =	shalt  }
0x62: {  	_ =	shalt  }
0x63: {  	_ =	shalt  }
0x64: {  	_ =	shalt  }
0x65: {  	_ =	shalt  }
0x66: {  	_ =	shalt  }
0x67: {  	_ =	shalt  }
0x68: {  	_ =	shalt  }
0x69: {  	_ =	shalt  }
0x6a: {  	_ =	shalt  }
0x6b: {  	_ =	shalt  }
0x6c: {  	_ =	shalt  }
0x6d: {  	_ =	shalt  }
0x6e: {  	_ =	shalt  }
0x6f: {  	_ =	shalt  }
0x70: {  	_ =	shalt  }
0x71: {  	_ =	shalt  }
0x72: {  	_ =	shalt  }
0x73: {  	_ =	shalt  }
0x74: {  	_ =	shalt  }
0x75: {  	_ =	shalt  }
0x76: {  	_ =	shalt  }
0x77: {  	_ =	shalt  }
0x78: {  	_ =	shalt  }
0x79: {  	_ =	shalt  }
0x7a: {  	_ =	shalt  }
0x7b: {  	_ =	shalt  }
0x7c: {  	_ =	shalt  }
0x7d: {  	_ =	shalt  }
0x7e: {  	_ =	shalt  }
0x7f: {  	_ =	shalt  }
0x80: {  	_ =	shalt  }
0x81: {  	_ =	shalt  }
0x82: {  	_ =	shalt  }
0x83: {  	_ =	shalt  }
0x84: {  	_ =	shalt  }
0x85: {  	_ =	shalt  }
0x86: {  	_ =	shalt  }
0x87: {  	_ =	shalt  }
.Lfunc_end0:
.L_simem_size_0:
called_computation_lowered:
.L_overlay_start_0:
0x88: {  	s2 =	sld [smem:$0x3FD9]  }
0x89: {  	s3 =	sld [smem:$0x3FFE];
	_ =	sdelay $0x1  }
0x8a: {  	s1 =	srdreg.scid  }
0x8b: {  	s0 =	sand.u32 $0x1, s1  }
0x8c: {  	s18 =	sshll.u32 s0, $0xA;
	s2 =	sadd.s32 s3, s2  }
0x8d: {  	s2 =	sadd.s32 s2, s18  }
0x8e: {  	[smem:$0x3FC5] =	sst s2  }
0x8f: {  	_ = 	snop  }
0x90: {  	s2 =	sld [smem:$0x3FC9]  }
0x91: {  	s19 =	sld [smem:$0x3FC8]  }
0x92: {  	s4 =	sld [smem:$0x3FC7]  }
0x93: {  	s5 =	sld [smem:$0x3FD0];
	(tm) =	ssettm $0x1  }
0x94: {  	s6 =	sld [smem:$0x3FFB];
	_ =	sdelay $0x3  }
0x95: {  	_ =	strace s6  }
0x96: {  	s6 =	sld [smem:$0x3FFC];
	_ =	sdelay $0x3  }
0x97: {  	_ =	strace s6  }
0x98: {  	s6 =	sld [smem:$0x3FFD];
	_ =	sdelay $0x3  }
0x99: {  	_ =	strace s6  }
0x9a: {  	_ =	strace $0x8FFFFFFF  }
0x9b: {  	s20 =	sld [smem:$0x3FDB];
	_ =	sdelay $0x1  }
0x9c: {  	s7 =	simm.s32 $_scs_section_size  }
0x9d: {  	s8 =	simm.s32 $_size__tile_overlayer_lowered;
	s9 =	simm.s32 $_tile_overlayer_lowered  }
0x9e: {  	s23 =	simm.s32 $0x1BFF;
	s22 =	sshll.u32 s9, $0x1;
	s6 =	sadd.s32 s7, s20  }
0x9f: {  	s10 =	simm.s32 $0x0;
	s21 =	sshll.u32 s8, $0x1;
	s8 =	sadd.s32 s22, s6  }
0xa0: {  	[timem:s10], [sflag:s23] =	dma.local [hbm:s8], s21  }
0xa1: {  	_ =	swait.ge [sflag:s23], s21  }
0xa2: {  	s7 =	ssub.s32 $0x0, s21;
	[sflag:s23] =	ssyncset.done $0x0  }
0xa3: {  	[sflag:s23] =	ssyncadd.s32 s7;
	_ =	sdelay $0x1  }
0xa4: {  	s24 =	simm.s32 $0x1B8B  }
0xa5: {  	_ =	swait.ge [sflag:s24], $0x1  }
0xa6: {  	[sflag:s24] =	ssyncset.done $0x0  }
0xa7: {  	s25 =	simm.s32 $0x1B8E;
	[sflag:s24] =	ssyncadd.s32 $0xFFFFFFFF  }
0xa8: {  	s26 =	simm.s32 $execute0_lowered;
	[smem:$0x3FD2] =	sst s25  }
0xa9: {  	s7 =	sshll.u32 s26, $0x1;
	_ =	strace $0x80000046;
	[dreg:$0x1] =	wrdreg $0xFFFFFFFF  }
0xaa: {  	s28 =	simm.s32 $_size_execute0_lowered;
	s6 =	sadd.s32 s6, s7;
	[dreg:$0x0] =	wrdreg $0x0  }
0xab: {  	s7 =	sshll.u32 s28, $0x1;
	[dreg:$0x2] =	wrdreg s6  }
0xac: {  	[dreg:$0x3] =	wrdreg s7  }
0xad: {  	[dreg:$0x4] =	wrdreg $0xC0  }
0xae: {  	_ =	task [dreg:s10], $0x5FFFF  }
0xaf: {  	[dreg:$0x1] =	wrdreg $0xFFFFFFFF  }
0xb0: {  	[dreg:$0x0] =	wrdreg $0x60  }
0xb1: {  	[dreg:$0x2] =	wrdreg s2  }
0xb2: {  	[dreg:$0x3] =	wrdreg s19  }
0xb3: {  	[dreg:$0x4] =	wrdreg s4  }
0xb4: {  	[dreg:$0x5] =	wrdreg s5  }
0xb5: {  	[dreg:$0x6] =	wrdreg $0x9  }
0xb6: {  	_ =	task.clear_ibuf [dreg:s10], $0x7FFFF;
	_ =	strace $0x90000046  }
0xb7: {  	s29 =	simm.s32 $0x9;
	_ =	strace $0x80000048  }
0xb8: {  	_ =	swait.ge [sflag:s29], $0x1  }
0xb9: {  	[sflag:s29] =	ssyncadd.s32 $0xFFFFFFFF  }
0xba: {  	_ =	strace $0x90000048  }
0xbb: {  	_ =	sfence  }
0xbc: {  	s30 =	sld [smem:$0x0];
	_ =	sdelay $0x2  }
0xbd: {  	s31 =	sshll.u32 s1, $0xD;
	s1 =	sshrl.u32 s1, $0x2  }
0xbe: {  	s3 =	sand.u32 $0x4000, s31;
	s1 =	sadd.s32 s1, s30  }
0xbf: {  	s0 =	sor.u32 s3, s0;
	s1 =	sshll.u32 s1, $0x11  }
0xc0: {  	s0 =	sor.u32 s1, s0  }
0xc1: {  	s0 =	sadd.s32 $0x8F2B, s0  }
0xc2: {  	[sflag:s0] =	ssyncadd.remote.s32 $0x1  }
0xc3: {  	_ =	sfence.sel $0xFFFF  }
0xc4: {  	[dreg:$0x0] =	wrdreg $0xFFFFFFFF;
	(pc) =	sbr.abs _section_cstart, $3  }
0xc5: {  	[dreg:$0x1] =	wrdreg $0xFFFFFFFF  }
0xc6: {  	_ =	task.clear_ibuf [dreg:s10], $0x2FFFF;
	_ =	strace $0x9FFFFFFF  }
0xc7: {  	(tm) =	ssettm $0x7FFFFFFF  }
tec
execute0_lowered:
.L_overlay_start_1:
0x0: {  	(tag) =	ssettag $0x1  }
0x1: {  	s1 =	rddreg [dreg:$0x0]  }
0x2: {  	s4 =	rddreg [dreg:$0x1]  }
0x3: {  	s5 =	rddreg [dreg:$0x2]  }
0x4: {  	s6 =	rddreg [dreg:$0x3]  }
0x5: {  	s0 =	rddreg [dreg:$0x4];
	s3 =	simm.s32 $0x0;
	s7 =	srdreg.scid  }
0x6: {  	s2 =	stileid.u32;
	s11 =	simm.s32 $0x180;
	s12 =	simm.s32 $0x980  }
0x7: {  	s13 =	simm.s32 $0x1180;
	s14 =	simm.s32 $0x1980;
	s7 =	sand.u32 $0x1, s7  }
0x8: {  	s15 =	simm.s32 $0x3;
	[smem:$0x7FF] =	sst s3;
	s8 =	ssub.s32 $0x2, s7  }
0x9: {  	s9 =	sshll.u32 s2, $0x6;
	s7 =	sshll.u32 s7, $0x5;
	s10 =	sshrl.u32 s8, $0x1  }
0xa: {  	_ =	strace $0x80000047;
	s7 =	sor.u32 s7, s9;
	s8 =	ssub.s32 s8, s10  }
0xb: {  	v2 =	vlaneseq.u32;
	s9 =	sshrl.u32 s7, $0x3;
	s7 =	sshll.u32 s7, $0x5;
	s10 =	simm.s32 $0x2  }
0xc: {  	vm0 =	vmmov $0xffff;
	v1 =	vshrl.u32 v2, $0x3;
	s4 =	sadd.s32 s4, s9;
	s5 =	sadd.s32 s5, s9;
	s6 =	sadd.s32 s6, s7  }
0xd: {  	v0 =	vand.u32 $0x7, v2;
	v2 =	vor.u32 $0x8, v2;
	v1 =	vmul.u32 $0x8, v1;
	s7 =	smax.u32 s8, $0x1;
	s8 =	simm.s32 $0x80;
	s9 =	simm.s32 $0x1  }
.LBB2_1:
0xe: {  	[tilespmem:s3], [sflag:$0x1] =	stream.linear.gather [hbm4b:s4+s3], $0x20, $0x38;
	[tilespmem:$0x2180] =	vst v63  }
0xf: {  	_ = 	snop  }
0x10: {  	[tilespmem:s8], [sflag:$0x2] =	stream.linear.gather [hbm4b:s5+s3], $0x20, $0x38;
	[tilespmem:$0x2180] =	vst v63  }
0x11: {  	_ =	swait.ge [sflag:s9], $0x20  }
0x12: {  	[sflag:s9] =	ssyncset.done $0x0  }
0x13: {  	[sflag:s9] =	ssyncadd.s32 $0xFFFFFFE0  }
0x14: {  	_ =	swait.ge [sflag:s10], $0x20  }
0x15: {  	[sflag:s10] =	ssyncset.done $0x0  }
0x16: {  	[sflag:s10] =	ssyncadd.s32 $0xFFFFFFE0  }
0x17: {  	v3 =	vld [tilespmem:$0x0]  }
0x18: {  	v4 =	vld [tilespmem:$0x80];
	_ =	sdelay $0x3  }
0x19: {  	v3 =	vshll.u32 v3, $0xC  }
0x1a: {  	v3 =	vadd.s32 v4, v3  }
0x1b: {  	v5 =	vshll.u32 v3, $0x1  }
0x1c: {  	v4 =	vand.u32 $0x7, v4;
	v5 =	vand.u32 $0xFFFFFFF0, v5  }
0x1d: {  	v6 =	vld [tilespmem:$0x10];
	v4 =	vor.u32 v4, v5  }
0x1e: {  	v62 =	vld [tilespmem:$0x90];
	v7 =	vperm.xlane v4, v0;
	_ =	sdelay $0x1  }
0x1f: {  	v4 =	vperm.xlane v4, v2;
	v7 =	vadd.s32 v1, v7;
	_ =	sdelay $0x1  }
0x20: {  	v6 =	vshll.u32 v6, $0xC;
	v4 =	vadd.s32 v1, v4  }
0x21: {  	[tilespmem:$0x100] =	vst v3;
	v3 =	vadd.s32 v62, v6  }
0x22: {  	[tilespmem:$0x110] =	vst v3  }
0x23: {  	[tilespmem:s11], [sflag:$0x1] =	stream.indirect_vreg.gather [hbm4b:s1+s3], $0x80, v7, vm0, $0xb8;
	[tilespmem:$0x2180] =	vst v63  }
0x24: {  	_ = 	snop  }
0x25: {  	[tilespmem:s12], [sflag:$0x1] =	stream.indirect_vreg.gather [hbm4b:s1+s3], $0x80, v4, vm0, $0xb8;
	[tilespmem:$0x2180] =	vst v63  }
0x26: {  	v3 =	vld [tilespmem:$0x110];
	_ =	sdelay $0x4  }
0x27: {  	v63 =	vshll.u32 v3, $0x1  }
0x28: {  	v3 =	vand.u32 $0x7, v3;
	v4 =	vand.u32 $0xFFFFFFF0, v63  }
0x29: {  	v3 =	vor.u32 v3, v4  }
0x2a: {  	v4 =	vperm.xlane v3, v0;
	_ =	sdelay $0x1  }
0x2b: {  	v3 =	vperm.xlane v3, v2;
	v4 =	vadd.s32 v1, v4;
	_ =	sdelay $0x1  }
0x2c: {  	v3 =	vadd.s32 v1, v3;
	_ =	sdelay $0x2  }
0x2d: {  	[tilespmem:s13], [sflag:$0x1] =	stream.indirect_vreg.gather [hbm4b:s1+s3], $0x80, v4, vm0, $0xb8;
	[tilespmem:$0x2180] =	vst v63  }
0x2e: {  	_ = 	snop  }
0x2f: {  	[tilespmem:s14], [sflag:$0x1] =	stream.indirect_vreg.gather [hbm4b:s1+s3], $0x80, v3, vm0, $0xb8;
	[tilespmem:$0x2180] =	vst v63  }
0x30: {  	_ =	swait.ge [sflag:s9], $0x2000  }
0x31: {  	p0 =	sne.s32 s7, $0x1;
	[sflag:s9] =	ssyncset.done $0x0  }
.Ltmp0:
0x32: {  	[sflag:s9] =	ssyncadd.s32 $0xFFFFE000;
	(pc) =	sbr.rel @p0 .LBB2_1-.Ltmp0, $4  }
0x33: {  	[hbm4b:s6+s3] =	stream.linear.scatter [tilespmem:s11], [sflag:$0x3], $0x2000, $0x38;
	[tilespmem:$0x2180] =	vst v63  }
0x34: {  	_ =	swait.ge [sflag:s15], $0x2000  }
0x35: {  	[sflag:s15] =	ssyncset.done $0x0  }
0x36: {  	s7 =	sadd.s32 $0xFFFFFFFF, s7;
	[sflag:s15] =	ssyncadd.s32 $0xFFFFE000  }
0x37: {  	_ =	sfence.sel $0x180000  }
0x38: {  	[bflag:$0x0] =	sbarrier.arrive $0xFFFF  }
0x39: {  	p0 =	sne.s32 s2, $0x0;
	_ =	strace $0x90000047  }
0x3a: {  	s0 =	sadd.s32 @!p0 $0x100000, s0;
	[bflag:$0x2] =	sbarrier.arrive $0xFFFF  }
0x3b: {  	[sflag:s0] =	ssyncadd.tile.s32 @!p0 $0x1;
	_ =	shalt  }
.Lfunc_end2:
_tile_overlayer_lowered:
.L_overlay_start_2:
0x3c: {  	(tag) =	ssettag $0x2  }
0x3d: {  	s0 =	rddreg [dreg:$0x0];
	s2 =	stileid.u32  }
0x3e: {  	s1 =	rddreg [dreg:$0x1];
	p0 =	sne.s32 s2, $0x0  }
0x3f: {  	s3 =	rddreg [dreg:$0x2];
	[bflag:$0x3] =	sbarrier.arrive $0xFFFF;
	s2 =	simm.s32 @!p0 $0x1C03  }
0x40: {  	[timem:s3], [sflag:s2] =	dma.local @!p0 [hbm:s0], s1  }
0x41: {  	s0 =	simm.s32 @!p0 $0x3  }
0x42: {  	_ =	swait.ge @!p0 [sflag:s0], s1  }
0x43: {  	s1 =	ssub.s32 @!p0 $0x0, s1;
	[sflag:s0] =	ssyncset.done @!p0 $0x0  }
0x44: {  	[sflag:s0] =	ssyncadd.s32 @!p0 s1  }
0x45: {  	[bflag:$0x3] =	sbarrier.arrive $0xFFFF  }
0x46: {  	_ =	shalt  }

</sc_bundles>
